<compile_context>
chip_gen: v7x
topology: tpu7x:2x2x1
jax: 0.10.2.dev20260603
libtpu: 0.0.44.dev20260713+nightly
codegen_flags: <defaults>
</compile_context>

<pallas_src>
import functools

import jax
import jax.numpy as jnp
from jax import lax
from jax.experimental import pallas as pl
from jax.experimental.pallas import tpu as pltpu
from jax.experimental.pallas import tpu_sc as plsc

N = 100000
H = 128
V = 100

NC = 2
NS = 16
NW = NC * NS
CHUNK = 128
CPW = 25
NBUF = 7
LAG = 2
LAST = N - CHUNK


def _embed_sc(z, table):
    mesh = plsc.VectorSubcoreMesh(core_axis_name="c", subcore_axis_name="s")

    @functools.partial(
        pl.kernel,
        out_type=jax.ShapeDtypeStruct((N, H), jnp.float32),
        mesh=mesh,
        scratch_types=[
            pltpu.VMEM((CPW, CHUNK), jnp.int32),
            pltpu.VMEM((NBUF, CHUNK, H), jnp.float32),
            pltpu.VMEM_SHARED((V, H), jnp.float32),
            pltpu.SemaphoreType.DMA,
            pltpu.SemaphoreType.DMA,
            pltpu.SemaphoreType.DMA((NBUF,)),
            pltpu.SemaphoreType.DMA((NBUF,)),
        ],
    )
    def k(z_hbm, table_hbm, out_hbm, idx_v, rows_v, table_sh, sem_t, sem_i,
          sem_g, sem_w):
        sid = lax.axis_index("s")
        wid = sid * NC + lax.axis_index("c")

        @pl.when(sid == 0)
        def _():
            pltpu.async_copy(table_hbm, table_sh, sem_t)

        def off_of(j):
            return lax.min((wid + j * NW) * CHUNK, LAST)

        def fire_idx(j, c):
            pltpu.async_copy(z_hbm.at[pl.ds(off_of(j), CHUNK)],
                             idx_v.at[j], sem_i)
            return c
        lax.fori_loop(0, CPW, fire_idx, 0)

        def drain_idx(j, c):
            pltpu.make_async_copy(z_hbm.at[pl.ds(0, CHUNK)],
                                  idx_v.at[0], sem_i).wait()
            return c
        lax.fori_loop(0, CPW, drain_idx, 0)

        @pl.when(sid == 0)
        def _():
            pltpu.make_async_copy(table_hbm, table_sh, sem_t).wait()
        plsc.subcore_barrier()

        def gather(j, b):
            pltpu.async_copy(table_sh.at[idx_v.at[j]], rows_v.at[b],
                             sem_g.at[b])

        def write(j, b):
            pltpu.async_copy(rows_v.at[b],
                             out_hbm.at[pl.ds(off_of(j), CHUNK)],
                             sem_w.at[b])

        def wait_g(b):
            pltpu.make_async_copy(table_sh.at[idx_v.at[0]], rows_v.at[b],
                                  sem_g.at[b]).wait()

        def wait_w(b):
            pltpu.make_async_copy(rows_v.at[b],
                                  out_hbm.at[pl.ds(0, CHUNK)],
                                  sem_w.at[b]).wait()

        def body(j, c):
            b = lax.rem(j, NBUF)

            @pl.when(j >= NBUF)
            def _():
                wait_w(b)

            gather(j, b)

            @pl.when(j >= LAG)
            def _():
                bp = lax.rem(j - LAG, NBUF)
                wait_g(bp)
                write(j - LAG, bp)
            return c

        lax.fori_loop(0, CPW, body, 0)

        def tail(j, c):
            b = lax.rem(j, NBUF)
            wait_g(b)
            write(j, b)
            return c
        lax.fori_loop(CPW - LAG, CPW, tail, 0)

        def drain_w(j, c):
            wait_w(lax.rem(j, NBUF))
            return c
        lax.fori_loop(CPW - NBUF, CPW, drain_w, 0)

    return k(z, table)


def kernel(atomic_numbers, pos, batch, edge_index, cell, cell_offsets,
           neighbors, W):
    z = atomic_numbers.astype(jnp.int32)
    h = _embed_sc(z, W.astype(jnp.float32))
    return (h, atomic_numbers, pos, batch, edge_index, cell, cell_offsets,
            neighbors)

# --- scband reference (transcript-rebuilt; emitter-appended) ---
"""Pipeline reference for scband-embedding-layer-8486855377485 (READ-ONLY COPY).

The authoritative reference and input builder live on the scoring server;
editing this copy changes nothing except your own understanding.
"""

import jax, jax.numpy as jnp
import numpy as np

N = 100000
E = 1600000
B = 64
H = 128


def setup_inputs(seed: int = 0) -> dict:
    key = jax.random.key(seed)
    ks = jax.random.split(key, 8)
    atomic_numbers = jax.random.randint(ks[0], (N,), 0, 100)
    pos = jax.random.normal(ks[1], (N, 3), dtype=jnp.float32)
    batch = jnp.sort(jax.random.randint(ks[2], (N,), 0, B))
    edge_index = jax.random.randint(ks[3], (2, E), 0, N)
    cell = jax.random.normal(ks[4], (B, 3, 3), dtype=jnp.float32)
    cell_offsets = jax.random.normal(ks[5], (E, 3), dtype=jnp.float32)
    neighbors = jax.random.randint(ks[6], (B,), 0, 1000)
    # learned parameter: nn.Embedding(100, hidden_channels) weight
    W = jax.random.normal(ks[7], (100, H), dtype=jnp.float32)
    return {
        "atomic_numbers": atomic_numbers,
        "pos": pos,
        "batch": batch,
        "edge_index": edge_index,
        "cell": cell,
        "cell_offsets": cell_offsets,
        "neighbors": neighbors,
        "W": W,
    }


def reference(atomic_numbers, pos, batch, edge_index, cell, cell_offsets, neighbors, W):
    # feat == 'simple' branch: z = atomic_numbers.long(); h = self.embedding(z)
    z = atomic_numbers.astype(jnp.int32)
    h = jnp.take(W, z, axis=0)
    return (h, atomic_numbers, pos, batch, edge_index, cell, cell_offsets, neighbors)

if __name__ == "__main__":
    import jax
    _d = setup_inputs()
    print(jax.jit(kernel)(*tuple(_d.values())))

</pallas_src>

<mosaic_0001>
#map = affine_map<(d0, d1) -> (0)>
#map1 = affine_map<(d0, d1) -> (0, 0)>
module attributes {stable_mosaic.version = 14 : i64} {
  func.func @k(%arg0: i32, %arg1: i32, %arg2: memref<100000xi32, #tpu.memory_space<hbm>>, %arg3: memref<100x128xf32, #tpu.memory_space<hbm>>, %arg4: memref<100000x128xf32, #tpu.memory_space<hbm>>, %arg5: memref<25x128xi32, #tpu.memory_space<vmem>>, %arg6: memref<7x128x128xf32, #tpu.memory_space<vmem>>, %arg7: memref<100x128xf32, #tpu.memory_space<vmem_shared>>, %arg8: memref<!tpu.dma_semaphore, #tpu.memory_space<semaphore_mem>>, %arg9: memref<!tpu.dma_semaphore, #tpu.memory_space<semaphore_mem>>, %arg10: memref<7x!tpu.dma_semaphore, #tpu.memory_space<semaphore_mem>>, %arg11: memref<7x!tpu.dma_semaphore, #tpu.memory_space<semaphore_mem>>) attributes {dimension_semantics = [#tpu.dimension_semantics<core_parallel>, #tpu.dimension_semantics<subcore_parallel>], iteration_bounds = array<i64: 2, 16>, scalar_prefetch = 0 : i64, scratch_operands = 7 : i64, tpu.core_type = #tpu.core_type<sc_vector_subcore>, window_params = [{transform_indices = #map}, {transform_indices = #map1}, {transform_indices = #map1}]} {
    %mul3A = arith.constant 2 : i32
    %mul3A_0 = arith.muli %arg1, %mul3A : i32
    %add3A = arith.addi %mul3A_0, %arg0 : i32
    %eq3A = arith.constant 0 : i32
    %eq3A_1 = arith.cmpi eq, %arg1, %eq3A : i32
    %convert_element_type3A = arith.extui %eq3A_1 : i1 to i32
    %cond3A = arith.constant 0 : i32
    %cond3A_2 = arith.cmpi ne, %convert_element_type3A, %cond3A : i32
    scf.if %cond3A_2 {
      tpu.enqueue_dma source(%arg3 : memref<100x128xf32, #tpu.memory_space<hbm>>) target(%arg7 : memref<100x128xf32, #tpu.memory_space<vmem_shared>>) target_semaphore(%arg8 : memref<!tpu.dma_semaphore, #tpu.memory_space<semaphore_mem>>)
    } else {
    }
    %scan3A = arith.constant 0 : i32
    %scan3A_3 = arith.constant 0 : i32
    %scan3A_4 = arith.constant 25 : i32
    %scan3A_5 = arith.addi %scan3A_3, %scan3A_4 : i32
    %scan3A_6 = arith.constant 1 : i32
    scf.for %scan3A_37 = %scan3A_3 to %scan3A_5 step %scan3A_6  : i32 {
      %mul3A_38 = arith.constant 32 : i32
      %mul3A_39 = arith.muli %scan3A_37, %mul3A_38 : i32
      %add3A_40 = arith.addi %add3A, %mul3A_39 : i32
      %mul3A_41 = arith.constant 128 : i32
      %mul3A_42 = arith.muli %add3A_40, %mul3A_41 : i32
      %min3A = arith.constant 99872 : i32
      %min3A_43 = arith.minsi %mul3A_42, %min3A : i32
      %dma_start3A = arith.constant 0 : i32
      %dma_start3A_44 = tpu.memref_slice %arg5[%scan3A_37, %dma_start3A] : memref<25x128xi32, #tpu.memory_space<vmem>> -> memref<1x128xi32, #tpu.memory_space<vmem>>
      %dma_start3A_45 = tpu.memref_squeeze %dma_start3A_44 : memref<1x128xi32, #tpu.memory_space<vmem>> -> memref<128xi32, #tpu.memory_space<vmem>>
      %dma_start3A_46 = tpu.memref_slice %arg2[%min3A_43] : memref<100000xi32, #tpu.memory_space<hbm>> -> memref<128xi32, #tpu.memory_space<hbm>>
      %dma_start3A_47 = arith.constant 0 : i32
      %dma_start3A_48 = tpu.memref_slice %arg5[%scan3A_37, %dma_start3A_47] : memref<25x128xi32, #tpu.memory_space<vmem>> -> memref<1x128xi32, #tpu.memory_space<vmem>>
      %dma_start3A_49 = tpu.memref_squeeze %dma_start3A_48 : memref<1x128xi32, #tpu.memory_space<vmem>> -> memref<128xi32, #tpu.memory_space<vmem>>
      %dma_start3A_50 = tpu.memref_slice %arg2[%min3A_43] : memref<100000xi32, #tpu.memory_space<hbm>> -> memref<128xi32, #tpu.memory_space<hbm>>
      tpu.enqueue_dma source(%dma_start3A_50 : memref<128xi32, #tpu.memory_space<hbm>>) target(%dma_start3A_49 : memref<128xi32, #tpu.memory_space<vmem>>) target_semaphore(%arg9 : memref<!tpu.dma_semaphore, #tpu.memory_space<semaphore_mem>>)
    }
    %scan3A_7 = arith.constant 25 : i32
    %scan3A_8 = arith.constant 0 : i32
    %scan3A_9 = arith.constant 0 : i32
    %scan3A_10 = arith.constant 25 : i32
    %scan3A_11 = arith.addi %scan3A_9, %scan3A_10 : i32
    %scan3A_12 = arith.constant 1 : i32
    scf.for %scan3A_37 = %scan3A_9 to %scan3A_11 step %scan3A_12  : i32 {
      %dma_wait3A = arith.constant 0 : i32
      %dma_wait3A_38 = arith.constant 0 : i32
      %dma_wait3A_39 = tpu.memref_slice %arg5[%dma_wait3A, %dma_wait3A_38] : memref<25x128xi32, #tpu.memory_space<vmem>> -> memref<1x128xi32, #tpu.memory_space<vmem>>
      %dma_wait3A_40 = tpu.memref_squeeze %dma_wait3A_39 : memref<1x128xi32, #tpu.memory_space<vmem>> -> memref<128xi32, #tpu.memory_space<vmem>>
      %dma_wait3A_41 = arith.constant 0 : i32
      %dma_wait3A_42 = tpu.memref_slice %arg2[%dma_wait3A_41] : memref<100000xi32, #tpu.memory_space<hbm>> -> memref<128xi32, #tpu.memory_space<hbm>>
      %dma_wait3A_43 = arith.constant 0 : i32
      %dma_wait3A_44 = tpu.memref_slice %arg5[%dma_wait3A, %dma_wait3A_43] : memref<25x128xi32, #tpu.memory_space<vmem>> -> memref<1x128xi32, #tpu.memory_space<vmem>>
      %dma_wait3A_45 = tpu.memref_squeeze %dma_wait3A_44 : memref<1x128xi32, #tpu.memory_space<vmem>> -> memref<128xi32, #tpu.memory_space<vmem>>
      %dma_wait3A_46 = arith.constant 0 : i32
      %dma_wait3A_47 = tpu.memref_slice %arg2[%dma_wait3A_46] : memref<100000xi32, #tpu.memory_space<hbm>> -> memref<128xi32, #tpu.memory_space<hbm>>
      tpu.wait_dma2 semaphore(%arg9 : memref<!tpu.dma_semaphore, #tpu.memory_space<semaphore_mem>>) src(%dma_wait3A_47 : memref<128xi32, #tpu.memory_space<hbm>>) dst(%dma_wait3A_45 : memref<128xi32, #tpu.memory_space<vmem>>)
    }
    %scan3A_13 = arith.constant 25 : i32
    %eq3A_14 = arith.constant 0 : i32
    %eq3A_15 = arith.cmpi eq, %arg1, %eq3A_14 : i32
    %convert_element_type3A_16 = arith.extui %eq3A_15 : i1 to i32
    %cond3A_17 = arith.constant 0 : i32
    %cond3A_18 = arith.cmpi ne, %convert_element_type3A_16, %cond3A_17 : i32
    scf.if %cond3A_18 {
      tpu.wait_dma2 semaphore(%arg8 : memref<!tpu.dma_semaphore, #tpu.memory_space<semaphore_mem>>) src(%arg3 : memref<100x128xf32, #tpu.memory_space<hbm>>) dst(%arg7 : memref<100x128xf32, #tpu.memory_space<vmem_shared>>)
    } else {
    }
    %barrier3A = arith.constant 0 : index
    tpu.barrier barrier_id(%barrier3A)
    %scan3A_19 = arith.constant 0 : i32
    %scan3A_20 = arith.constant 0 : i32
    %scan3A_21 = arith.constant 25 : i32
    %scan3A_22 = arith.addi %scan3A_20, %scan3A_21 : i32
    %scan3A_23 = arith.constant 1 : i32
    scf.for %scan3A_37 = %scan3A_20 to %scan3A_22 step %scan3A_23  : i32 {
      %rem3A = arith.constant 7 : i32
      %rem3A_38 = arith.remsi %scan3A_37, %rem3A : i32
      %ge3A = arith.constant 7 : i32
      %ge3A_39 = arith.cmpi sge, %scan3A_37, %ge3A : i32
      %convert_element_type3A_40 = arith.extui %ge3A_39 : i1 to i32
      %cond3A_41 = arith.constant 0 : i32
      %cond3A_42 = arith.cmpi ne, %convert_element_type3A_40, %cond3A_41 : i32
      scf.if %cond3A_42 {
        %dma_wait3A = arith.constant 0 : i32
        %dma_wait3A_59 = arith.constant 0 : i32
        %dma_wait3A_60 = tpu.memref_slice %arg6[%rem3A_38, %dma_wait3A, %dma_wait3A_59] : memref<7x128x128xf32, #tpu.memory_space<vmem>> -> memref<1x128x128xf32, #tpu.memory_space<vmem>>
        %dma_wait3A_61 = tpu.memref_squeeze %dma_wait3A_60 : memref<1x128x128xf32, #tpu.memory_space<vmem>> -> memref<128x128xf32, #tpu.memory_space<vmem>>
        %dma_wait3A_62 = arith.constant 0 : i32
        %dma_wait3A_63 = arith.constant 0 : i32
        %dma_wait3A_64 = tpu.memref_slice %arg4[%dma_wait3A_62, %dma_wait3A_63] : memref<100000x128xf32, #tpu.memory_space<hbm>> -> memref<128x128xf32, #tpu.memory_space<hbm>>
        %dma_wait3A_65 = tpu.memref_slice %arg11[%rem3A_38] : memref<7x!tpu.dma_semaphore, #tpu.memory_space<semaphore_mem>> -> memref<1x!tpu.dma_semaphore, #tpu.memory_space<semaphore_mem>>
        %dma_wait3A_66 = tpu.memref_squeeze %dma_wait3A_65 : memref<1x!tpu.dma_semaphore, #tpu.memory_space<semaphore_mem>> -> memref<!tpu.dma_semaphore, #tpu.memory_space<semaphore_mem>>
        %dma_wait3A_67 = arith.constant 0 : i32
        %dma_wait3A_68 = arith.constant 0 : i32
        %dma_wait3A_69 = tpu.memref_slice %arg4[%dma_wait3A_67, %dma_wait3A_68] : memref<100000x128xf32, #tpu.memory_space<hbm>> -> memref<128x128xf32, #tpu.memory_space<hbm>>
        %dma_wait3A_70 = arith.constant 0 : i32
        %dma_wait3A_71 = arith.constant 0 : i32
        %dma_wait3A_72 = tpu.memref_slice %arg6[%rem3A_38, %dma_wait3A_70, %dma_wait3A_71] : memref<7x128x128xf32, #tpu.memory_space<vmem>> -> memref<1x128x128xf32, #tpu.memory_space<vmem>>
        %dma_wait3A_73 = tpu.memref_squeeze %dma_wait3A_72 : memref<1x128x128xf32, #tpu.memory_space<vmem>> -> memref<128x128xf32, #tpu.memory_space<vmem>>
        tpu.wait_dma2 semaphore(%dma_wait3A_66 : memref<!tpu.dma_semaphore, #tpu.memory_space<semaphore_mem>>) src(%dma_wait3A_73 : memref<128x128xf32, #tpu.memory_space<vmem>>) dst(%dma_wait3A_69 : memref<128x128xf32, #tpu.memory_space<hbm>>)
      } else {
      }
      %dma_start3A = arith.constant 0 : i32
      %dma_start3A_43 = arith.constant 0 : i32
      %dma_start3A_44 = tpu.memref_slice %arg6[%rem3A_38, %dma_start3A, %dma_start3A_43] : memref<7x128x128xf32, #tpu.memory_space<vmem>> -> memref<1x128x128xf32, #tpu.memory_space<vmem>>
      %dma_start3A_45 = tpu.memref_squeeze %dma_start3A_44 : memref<1x128x128xf32, #tpu.memory_space<vmem>> -> memref<128x128xf32, #tpu.memory_space<vmem>>
      %dma_start3A_46 = arith.constant 0 : i32
      %dma_start3A_47 = tpu.memref_slice %arg5[%scan3A_37, %dma_start3A_46] : memref<25x128xi32, #tpu.memory_space<vmem>> -> memref<1x128xi32, #tpu.memory_space<vmem>>
      %dma_start3A_48 = tpu.memref_squeeze %dma_start3A_47 : memref<1x128xi32, #tpu.memory_space<vmem>> -> memref<128xi32, #tpu.memory_space<vmem>>
      %dma_start3A_49 = arith.constant 0 : i32
      %dma_start3A_50 = arith.constant 0 : i32
      %dma_start3A_51 = tpu.memref_slice %arg7[%dma_start3A_49, %dma_start3A_50] : memref<100x128xf32, #tpu.memory_space<vmem_shared>> -> memref<100x128xf32, #tpu.memory_space<vmem_shared>>
      %dma_start3A_52 = tpu.memref_slice %arg10[%rem3A_38] : memref<7x!tpu.dma_semaphore, #tpu.memory_space<semaphore_mem>> -> memref<1x!tpu.dma_semaphore, #tpu.memory_space<semaphore_mem>>
      %dma_start3A_53 = tpu.memref_squeeze %dma_start3A_52 : memref<1x!tpu.dma_semaphore, #tpu.memory_space<semaphore_mem>> -> memref<!tpu.dma_semaphore, #tpu.memory_space<semaphore_mem>>
      tpu.enqueue_indirect_dma source(%dma_start3A_51 : memref<100x128xf32, #tpu.memory_space<vmem_shared>>) target(%dma_start3A_45 : memref<128x128xf32, #tpu.memory_space<vmem>>) offsets(%dma_start3A_48 : memref<128xi32, #tpu.memory_space<vmem>>) semaphore(%dma_start3A_53 : memref<!tpu.dma_semaphore, #tpu.memory_space<semaphore_mem>>)
      %ge3A_54 = arith.constant 2 : i32
      %ge3A_55 = arith.cmpi sge, %scan3A_37, %ge3A_54 : i32
      %convert_element_type3A_56 = arith.extui %ge3A_55 : i1 to i32
      %cond3A_57 = arith.constant 0 : i32
      %cond3A_58 = arith.cmpi ne, %convert_element_type3A_56, %cond3A_57 : i32
      scf.if %cond3A_58 {
        %sub3A = arith.constant 2 : i32
        %sub3A_59 = arith.subi %scan3A_37, %sub3A : i32
        %rem3A_60 = arith.constant 7 : i32
        %rem3A_61 = arith.remsi %sub3A_59, %rem3A_60 : i32
        %dma_wait3A = arith.constant 0 : i32
        %dma_wait3A_62 = arith.constant 0 : i32
        %dma_wait3A_63 = arith.constant 0 : i32
        %dma_wait3A_64 = tpu.memref_slice %arg6[%rem3A_61, %dma_wait3A_62, %dma_wait3A_63] : memref<7x128x128xf32, #tpu.memory_space<vmem>> -> memref<1x128x128xf32, #tpu.memory_space<vmem>>
        %dma_wait3A_65 = tpu.memref_squeeze %dma_wait3A_64 : memref<1x128x128xf32, #tpu.memory_space<vmem>> -> memref<128x128xf32, #tpu.memory_space<vmem>>
        %dma_wait3A_66 = arith.constant 0 : i32
        %dma_wait3A_67 = tpu.memref_slice %arg5[%dma_wait3A, %dma_wait3A_66] : memref<25x128xi32, #tpu.memory_space<vmem>> -> memref<1x128xi32, #tpu.memory_space<vmem>>
        %dma_wait3A_68 = tpu.memref_squeeze %dma_wait3A_67 : memref<1x128xi32, #tpu.memory_space<vmem>> -> memref<128xi32, #tpu.memory_space<vmem>>
        %dma_wait3A_69 = arith.constant 0 : i32
        %dma_wait3A_70 = arith.constant 0 : i32
        %dma_wait3A_71 = tpu.memref_slice %arg7[%dma_wait3A_69, %dma_wait3A_70] : memref<100x128xf32, #tpu.memory_space<vmem_shared>> -> memref<100x128xf32, #tpu.memory_space<vmem_shared>>
        %dma_wait3A_72 = tpu.memref_slice %arg10[%rem3A_61] : memref<7x!tpu.dma_semaphore, #tpu.memory_space<semaphore_mem>> -> memref<1x!tpu.dma_semaphore, #tpu.memory_space<semaphore_mem>>
        %dma_wait3A_73 = tpu.memref_squeeze %dma_wait3A_72 : memref<1x!tpu.dma_semaphore, #tpu.memory_space<semaphore_mem>> -> memref<!tpu.dma_semaphore, #tpu.memory_space<semaphore_mem>>
        tpu.wait_indirect_dma semaphore(%dma_wait3A_73 : memref<!tpu.dma_semaphore, #tpu.memory_space<semaphore_mem>>) src(%dma_wait3A_71 : memref<100x128xf32, #tpu.memory_space<vmem_shared>>) dst(%dma_wait3A_65 : memref<128x128xf32, #tpu.memory_space<vmem>>)
        %sub3A_74 = arith.constant 2 : i32
        %sub3A_75 = arith.subi %scan3A_37, %sub3A_74 : i32
        %mul3A_76 = arith.constant 32 : i32
        %mul3A_77 = arith.muli %sub3A_75, %mul3A_76 : i32
        %add3A_78 = arith.addi %add3A, %mul3A_77 : i32
        %mul3A_79 = arith.constant 128 : i32
        %mul3A_80 = arith.muli %add3A_78, %mul3A_79 : i32
        %min3A = arith.constant 99872 : i32
        %min3A_81 = arith.minsi %mul3A_80, %min3A : i32
        %dma_start3A_82 = arith.constant 0 : i32
        %dma_start3A_83 = arith.constant 0 : i32
        %dma_start3A_84 = tpu.memref_slice %arg6[%rem3A_61, %dma_start3A_82, %dma_start3A_83] : memref<7x128x128xf32, #tpu.memory_space<vmem>> -> memref<1x128x128xf32, #tpu.memory_space<vmem>>
        %dma_start3A_85 = tpu.memref_squeeze %dma_start3A_84 : memref<1x128x128xf32, #tpu.memory_space<vmem>> -> memref<128x128xf32, #tpu.memory_space<vmem>>
        %dma_start3A_86 = arith.constant 0 : i32
        %dma_start3A_87 = tpu.memref_slice %arg4[%min3A_81, %dma_start3A_86] : memref<100000x128xf32, #tpu.memory_space<hbm>> -> memref<128x128xf32, #tpu.memory_space<hbm>>
        %dma_start3A_88 = tpu.memref_slice %arg11[%rem3A_61] : memref<7x!tpu.dma_semaphore, #tpu.memory_space<semaphore_mem>> -> memref<1x!tpu.dma_semaphore, #tpu.memory_space<semaphore_mem>>
        %dma_start3A_89 = tpu.memref_squeeze %dma_start3A_88 : memref<1x!tpu.dma_semaphore, #tpu.memory_space<semaphore_mem>> -> memref<!tpu.dma_semaphore, #tpu.memory_space<semaphore_mem>>
        %dma_start3A_90 = arith.constant 0 : i32
        %dma_start3A_91 = tpu.memref_slice %arg4[%min3A_81, %dma_start3A_90] : memref<100000x128xf32, #tpu.memory_space<hbm>> -> memref<128x128xf32, #tpu.memory_space<hbm>>
        %dma_start3A_92 = arith.constant 0 : i32
        %dma_start3A_93 = arith.constant 0 : i32
        %dma_start3A_94 = tpu.memref_slice %arg6[%rem3A_61, %dma_start3A_92, %dma_start3A_93] : memref<7x128x128xf32, #tpu.memory_space<vmem>> -> memref<1x128x128xf32, #tpu.memory_space<vmem>>
        %dma_start3A_95 = tpu.memref_squeeze %dma_start3A_94 : memref<1x128x128xf32, #tpu.memory_space<vmem>> -> memref<128x128xf32, #tpu.memory_space<vmem>>
        tpu.enqueue_dma source(%dma_start3A_95 : memref<128x128xf32, #tpu.memory_space<vmem>>) target(%dma_start3A_91 : memref<128x128xf32, #tpu.memory_space<hbm>>) target_semaphore(%dma_start3A_89 : memref<!tpu.dma_semaphore, #tpu.memory_space<semaphore_mem>>)
      } else {
      }
    }
    %scan3A_24 = arith.constant 25 : i32
    %scan3A_25 = arith.constant 0 : i32
    %scan3A_26 = arith.constant 23 : i32
    %scan3A_27 = arith.constant 2 : i32
    %scan3A_28 = arith.addi %scan3A_26, %scan3A_27 : i32
    %scan3A_29 = arith.constant 1 : i32
    scf.for %scan3A_37 = %scan3A_26 to %scan3A_28 step %scan3A_29  : i32 {
      %rem3A = arith.constant 7 : i32
      %rem3A_38 = arith.remsi %scan3A_37, %rem3A : i32
      %dma_wait3A = arith.constant 0 : i32
      %dma_wait3A_39 = arith.constant 0 : i32
      %dma_wait3A_40 = arith.constant 0 : i32
      %dma_wait3A_41 = tpu.memref_slice %arg6[%rem3A_38, %dma_wait3A_39, %dma_wait3A_40] : memref<7x128x128xf32, #tpu.memory_space<vmem>> -> memref<1x128x128xf32, #tpu.memory_space<vmem>>
      %dma_wait3A_42 = tpu.memref_squeeze %dma_wait3A_41 : memref<1x128x128xf32, #tpu.memory_space<vmem>> -> memref<128x128xf32, #tpu.memory_space<vmem>>
      %dma_wait3A_43 = arith.constant 0 : i32
      %dma_wait3A_44 = tpu.memref_slice %arg5[%dma_wait3A, %dma_wait3A_43] : memref<25x128xi32, #tpu.memory_space<vmem>> -> memref<1x128xi32, #tpu.memory_space<vmem>>
      %dma_wait3A_45 = tpu.memref_squeeze %dma_wait3A_44 : memref<1x128xi32, #tpu.memory_space<vmem>> -> memref<128xi32, #tpu.memory_space<vmem>>
      %dma_wait3A_46 = arith.constant 0 : i32
      %dma_wait3A_47 = arith.constant 0 : i32
      %dma_wait3A_48 = tpu.memref_slice %arg7[%dma_wait3A_46, %dma_wait3A_47] : memref<100x128xf32, #tpu.memory_space<vmem_shared>> -> memref<100x128xf32, #tpu.memory_space<vmem_shared>>
      %dma_wait3A_49 = tpu.memref_slice %arg10[%rem3A_38] : memref<7x!tpu.dma_semaphore, #tpu.memory_space<semaphore_mem>> -> memref<1x!tpu.dma_semaphore, #tpu.memory_space<semaphore_mem>>
      %dma_wait3A_50 = tpu.memref_squeeze %dma_wait3A_49 : memref<1x!tpu.dma_semaphore, #tpu.memory_space<semaphore_mem>> -> memref<!tpu.dma_semaphore, #tpu.memory_space<semaphore_mem>>
      tpu.wait_indirect_dma semaphore(%dma_wait3A_50 : memref<!tpu.dma_semaphore, #tpu.memory_space<semaphore_mem>>) src(%dma_wait3A_48 : memref<100x128xf32, #tpu.memory_space<vmem_shared>>) dst(%dma_wait3A_42 : memref<128x128xf32, #tpu.memory_space<vmem>>)
      %mul3A_51 = arith.constant 32 : i32
      %mul3A_52 = arith.muli %scan3A_37, %mul3A_51 : i32
      %add3A_53 = arith.addi %add3A, %mul3A_52 : i32
      %mul3A_54 = arith.constant 128 : i32
      %mul3A_55 = arith.muli %add3A_53, %mul3A_54 : i32
      %min3A = arith.constant 99872 : i32
      %min3A_56 = arith.minsi %mul3A_55, %min3A : i32
      %dma_start3A = arith.constant 0 : i32
      %dma_start3A_57 = arith.constant 0 : i32
      %dma_start3A_58 = tpu.memref_slice %arg6[%rem3A_38, %dma_start3A, %dma_start3A_57] : memref<7x128x128xf32, #tpu.memory_space<vmem>> -> memref<1x128x128xf32, #tpu.memory_space<vmem>>
      %dma_start3A_59 = tpu.memref_squeeze %dma_start3A_58 : memref<1x128x128xf32, #tpu.memory_space<vmem>> -> memref<128x128xf32, #tpu.memory_space<vmem>>
      %dma_start3A_60 = arith.constant 0 : i32
      %dma_start3A_61 = tpu.memref_slice %arg4[%min3A_56, %dma_start3A_60] : memref<100000x128xf32, #tpu.memory_space<hbm>> -> memref<128x128xf32, #tpu.memory_space<hbm>>
      %dma_start3A_62 = tpu.memref_slice %arg11[%rem3A_38] : memref<7x!tpu.dma_semaphore, #tpu.memory_space<semaphore_mem>> -> memref<1x!tpu.dma_semaphore, #tpu.memory_space<semaphore_mem>>
      %dma_start3A_63 = tpu.memref_squeeze %dma_start3A_62 : memref<1x!tpu.dma_semaphore, #tpu.memory_space<semaphore_mem>> -> memref<!tpu.dma_semaphore, #tpu.memory_space<semaphore_mem>>
      %dma_start3A_64 = arith.constant 0 : i32
      %dma_start3A_65 = tpu.memref_slice %arg4[%min3A_56, %dma_start3A_64] : memref<100000x128xf32, #tpu.memory_space<hbm>> -> memref<128x128xf32, #tpu.memory_space<hbm>>
      %dma_start3A_66 = arith.constant 0 : i32
      %dma_start3A_67 = arith.constant 0 : i32
      %dma_start3A_68 = tpu.memref_slice %arg6[%rem3A_38, %dma_start3A_66, %dma_start3A_67] : memref<7x128x128xf32, #tpu.memory_space<vmem>> -> memref<1x128x128xf32, #tpu.memory_space<vmem>>
      %dma_start3A_69 = tpu.memref_squeeze %dma_start3A_68 : memref<1x128x128xf32, #tpu.memory_space<vmem>> -> memref<128x128xf32, #tpu.memory_space<vmem>>
      tpu.enqueue_dma source(%dma_start3A_69 : memref<128x128xf32, #tpu.memory_space<vmem>>) target(%dma_start3A_65 : memref<128x128xf32, #tpu.memory_space<hbm>>) target_semaphore(%dma_start3A_63 : memref<!tpu.dma_semaphore, #tpu.memory_space<semaphore_mem>>)
    }
    %scan3A_30 = arith.constant 2 : i32
    %scan3A_31 = arith.constant 0 : i32
    %scan3A_32 = arith.constant 18 : i32
    %scan3A_33 = arith.constant 7 : i32
    %scan3A_34 = arith.addi %scan3A_32, %scan3A_33 : i32
    %scan3A_35 = arith.constant 1 : i32
    scf.for %scan3A_37 = %scan3A_32 to %scan3A_34 step %scan3A_35  : i32 {
      %rem3A = arith.constant 7 : i32
      %rem3A_38 = arith.remsi %scan3A_37, %rem3A : i32
      %dma_wait3A = arith.constant 0 : i32
      %dma_wait3A_39 = arith.constant 0 : i32
      %dma_wait3A_40 = tpu.memref_slice %arg6[%rem3A_38, %dma_wait3A, %dma_wait3A_39] : memref<7x128x128xf32, #tpu.memory_space<vmem>> -> memref<1x128x128xf32, #tpu.memory_space<vmem>>
      %dma_wait3A_41 = tpu.memref_squeeze %dma_wait3A_40 : memref<1x128x128xf32, #tpu.memory_space<vmem>> -> memref<128x128xf32, #tpu.memory_space<vmem>>
      %dma_wait3A_42 = arith.constant 0 : i32
      %dma_wait3A_43 = arith.constant 0 : i32
      %dma_wait3A_44 = tpu.memref_slice %arg4[%dma_wait3A_42, %dma_wait3A_43] : memref<100000x128xf32, #tpu.memory_space<hbm>> -> memref<128x128xf32, #tpu.memory_space<hbm>>
      %dma_wait3A_45 = tpu.memref_slice %arg11[%rem3A_38] : memref<7x!tpu.dma_semaphore, #tpu.memory_space<semaphore_mem>> -> memref<1x!tpu.dma_semaphore, #tpu.memory_space<semaphore_mem>>
      %dma_wait3A_46 = tpu.memref_squeeze %dma_wait3A_45 : memref<1x!tpu.dma_semaphore, #tpu.memory_space<semaphore_mem>> -> memref<!tpu.dma_semaphore, #tpu.memory_space<semaphore_mem>>
      %dma_wait3A_47 = arith.constant 0 : i32
      %dma_wait3A_48 = arith.constant 0 : i32
      %dma_wait3A_49 = tpu.memref_slice %arg4[%dma_wait3A_47, %dma_wait3A_48] : memref<100000x128xf32, #tpu.memory_space<hbm>> -> memref<128x128xf32, #tpu.memory_space<hbm>>
      %dma_wait3A_50 = arith.constant 0 : i32
      %dma_wait3A_51 = arith.constant 0 : i32
      %dma_wait3A_52 = tpu.memref_slice %arg6[%rem3A_38, %dma_wait3A_50, %dma_wait3A_51] : memref<7x128x128xf32, #tpu.memory_space<vmem>> -> memref<1x128x128xf32, #tpu.memory_space<vmem>>
      %dma_wait3A_53 = tpu.memref_squeeze %dma_wait3A_52 : memref<1x128x128xf32, #tpu.memory_space<vmem>> -> memref<128x128xf32, #tpu.memory_space<vmem>>
      tpu.wait_dma2 semaphore(%dma_wait3A_46 : memref<!tpu.dma_semaphore, #tpu.memory_space<semaphore_mem>>) src(%dma_wait3A_53 : memref<128x128xf32, #tpu.memory_space<vmem>>) dst(%dma_wait3A_49 : memref<128x128xf32, #tpu.memory_space<hbm>>)
    }
    %scan3A_36 = arith.constant 7 : i32
    return
  }
}

</mosaic_0001>

<sc_bundles>
// kernel: kernel.3.cloned.1.call-start
scs
__scs_entry_jumppad:
0x0: {  	(pc) =	sbr.rel $0x88, $3  }
0x1: {  	(tag) =	ssettag $0x0;
	lr =	simm.s32 $0x1  }
0x2: {  	[smem:$0x3F99] =	sst lr;
	_ =	strace $0xD0000000  }
0x3: {  	_ = 	snop  }
0x4: {  	_ = 	snop  }
0x5: {  	_ = 	snop  }
0x6: {  	_ = 	snop  }
0x7: {  	_ = 	snop  }
__scs_overlays_trampoline_lowered:
0x8: {  	[smem:$0x3FA8] =	sst s0  }
0x9: {  	[smem:$0x3FA9] =	sst s1  }
0xa: {  	[smem:$0x3FAA] =	sst s2  }
0xb: {  	[smem:$0x3FAB] =	sst s3  }
0xc: {  	[smem:$0x3FAC] =	sst s4  }
0xd: {  	[smem:$0x3FAD] =	sst s5  }
0xe: {  	[smem:$0x3FAE] =	sst s6  }
0xf: {  	[smem:$0x3FAF] =	sst s7  }
0x10: {  	[smem:$0x3FB0] =	sst s8  }
0x11: {  	[smem:$0x3FB1] =	sst s9;
	s0 =	simm.s32 @!p0 $0x0  }
0x12: {  	s1 =	sld [smem:$0x3F97];
	s0 =	simm.s32 @p0 $0x1  }
0x13: {  	[smem:$0x3FB2] =	sst s0;
	s0 =	simm.s32 @!p1 $0x0  }
0x14: {  	s2 =	sld [smem:$0x3F96];
	s0 =	simm.s32 @p1 $0x1  }
0x15: {  	[smem:$0x3FB3] =	sst s0;
	s0 =	simm.s32 @!p2 $0x0  }
0x16: {  	s3 =	sld [smem:$0x3FDB];
	s0 =	simm.s32 @p2 $0x1  }
0x17: {  	s4 =	simm.s32 $0x1BF5;
	[smem:$0x3FB5] =	sst s0  }
0x18: {  	s0 =	sld [smem:$0x3F98];
	_ =	swait.ge [sflag:s4], $0x0  }
0x19: {  	s7 =	sld [smem:$0x3F99]  }
0x1a: {  	s8 =	sadd.s32 $0xFFFFE003, lr  }
0x1b: {  	s9 =	sadd.s32 $0xFFFFFEF7, lr;
	s5 =	simm.s32 $0xFFFFFFFF;
	p2 =	slt.u32 s8, $0xFFFFF086  }
0x1c: {  	p1 =	slt.u32 s9, $0xF7A;
	s5 =	simm.s32 @!p2 $0x0  }
0x1d: {  	s5 =	simm.s32 @p1 $0x1;
	p0 =	seq.s32 s7, s2  }
0x1e: {  	s7 =	smul.u32 @!p0 $0xF7A, s2;
	p2 =	seq.s32 @!p0 s5, $0x0  }
0x1f: {  	s9 =	smul.u32 $0xF7A, s1;
	s8 =	simm.s32 @!p0 $0x1BF5;
	p2 =	por !p2, p0  }
0x20: {  	[sflag:s8] =	ssyncset.s32 @!p0 $0xFFFFF086;
	s6 =	sadd.s32 @!p0 s3, s7;
	s7 =	simm.s32 @!p0 $0x108  }
0x21: {  	s3 =	sadd.s32 s3, s9;
	s6 =	sadd.s32 @!p0 $0x88, s6;
	s7 =	simm.s32 @p2 $0x1082  }
0x22: {  	[simem:s7], [sflag:s8] =	dma.local @!p0 [hbm:s6], $0xF7A  }
0x23: {  	s9 =	sor.u32 $0xD0000000, s2;
	s6 =	simm.s32 $0x108;
	_ =	swait.ge @!p0 [sflag:s8], $0x0  }
0x24: {  	s3 =	sadd.s32 $0x88, s3;
	s6 =	simm.s32 @!p1 $0x1082;
	[sflag:s4] =	ssyncset.s32 $0xFFFFF086  }
0x25: {  	[simem:s6], [sflag:s4] =	dma.local [hbm:s3], $0xF7A  }
0x26: {  	[smem:$0x3F99] =	sst s1;
	(tag) =	ssettag s2;
	_ =	strace s9  }
0x27: {  	s1 =	sld [smem:$0x3FA9]  }
0x28: {  	s2 =	sld [smem:$0x3FAA]  }
0x29: {  	s4 =	sld [smem:$0x3FAC]  }
0x2a: {  	p0 =	seq.s32 s5, $0x0;
	s5 =	sld [smem:$0x3FAD]  }
0x2b: {  	s6 =	sld [smem:$0x3FAE]  }
0x2c: {  	s7 =	sld [smem:$0x3FAF]  }
0x2d: {  	s3 =	simm.s32 $0x108;
	s8 =	sld [smem:$0x3FB0]  }
0x2e: {  	s3 =	simm.s32 @!p0 $0x1082;
	s9 =	sld [smem:$0x3FB1]  }
0x2f: {  	lr =	sadd.s32 s0, s3;
	s0 =	sld [smem:$0x3FA8]  }
0x30: {  	s3 =	sld [smem:$0x3FAB]  }
0x31: {  	[smem:$0x3FB4] =	sst s10  }
0x32: {  	s10 =	sld [smem:$0x3FB2];
	_ =	sdelay $0x3  }
0x33: {  	p0 =	seq.s32 s10, $0x1;
	s10 =	sld [smem:$0x3FB4];
	_ =	sdelay $0x3  }
0x34: {  	[smem:$0x3FB4] =	sst s10  }
0x35: {  	s10 =	sld [smem:$0x3FB3];
	_ =	sdelay $0x3  }
0x36: {  	p1 =	seq.s32 s10, $0x1;
	s10 =	sld [smem:$0x3FB4];
	_ =	sdelay $0x3  }
0x37: {  	[smem:$0x3FB4] =	sst s10  }
0x38: {  	s10 =	sld [smem:$0x3FB5]  }
0x39: {  	_ = 	snop;
	(pc) =	sbr.ind lr, $3  }
0x3a: {  	_ = 	snop  }
0x3b: {  	_ = 	snop  }
0x3c: {  	p2 =	seq.s32 s10, $0x1;
	s10 =	sld [smem:$0x3FB4]  }
0x3d: {  	_ =	shalt  }
0x3e: {  	_ =	shalt  }
0x3f: {  	_ =	shalt  }
0x40: {  	_ =	shalt  }
0x41: {  	_ =	shalt  }
0x42: {  	_ =	shalt  }
0x43: {  	_ =	shalt  }
0x44: {  	_ =	shalt  }
0x45: {  	_ =	shalt  }
0x46: {  	_ =	shalt  }
0x47: {  	_ =	shalt  }
0x48: {  	_ =	shalt  }
0x49: {  	_ =	shalt  }
0x4a: {  	_ =	shalt  }
0x4b: {  	_ =	shalt  }
0x4c: {  	_ =	shalt  }
0x4d: {  	_ =	shalt  }
0x4e: {  	_ =	shalt  }
0x4f: {  	_ =	shalt  }
0x50: {  	_ =	shalt  }
0x51: {  	_ =	shalt  }
0x52: {  	_ =	shalt  }
0x53: {  	_ =	shalt  }
0x54: {  	_ =	shalt  }
0x55: {  	_ =	shalt  }
0x56: {  	_ =	shalt  }
0x57: {  	_ =	shalt  }
0x58: {  	_ =	shalt  }
0x59: {  	_ =	shalt  }
0x5a: {  	_ =	shalt  }
0x5b: {  	_ =	shalt  }
0x5c: {  	_ =	shalt  }
0x5d: {  	_ =	shalt  }
0x5e: {  	_ =	shalt  }
0x5f: {  	_ =	shalt  }
0x60: {  	_ =	shalt  }
0x61: {  	_ =	shalt  }
0x62: {  	_ =	shalt  }
0x63: {  	_ =	shalt  }
0x64: {  	_ =	shalt  }
0x65: {  	_ =	shalt  }
0x66: {  	_ =	shalt  }
0x67: {  	_ =	shalt  }
0x68: {  	_ =	shalt  }
0x69: {  	_ =	shalt  }
0x6a: {  	_ =	shalt  }
0x6b: {  	_ =	shalt  }
0x6c: {  	_ =	shalt  }
0x6d: {  	_ =	shalt  }
0x6e: {  	_ =	shalt  }
0x6f: {  	_ =	shalt  }
0x70: {  	_ =	shalt  }
0x71: {  	_ =	shalt  }
0x72: {  	_ =	shalt  }
0x73: {  	_ =	shalt  }
0x74: {  	_ =	shalt  }
0x75: {  	_ =	shalt  }
0x76: {  	_ =	shalt  }
0x77: {  	_ =	shalt  }
0x78: {  	_ =	shalt  }
0x79: {  	_ =	shalt  }
0x7a: {  	_ =	shalt  }
0x7b: {  	_ =	shalt  }
0x7c: {  	_ =	shalt  }
0x7d: {  	_ =	shalt  }
0x7e: {  	_ =	shalt  }
0x7f: {  	_ =	shalt  }
0x80: {  	_ =	shalt  }
0x81: {  	_ =	shalt  }
0x82: {  	_ =	shalt  }
0x83: {  	_ =	shalt  }
0x84: {  	_ =	shalt  }
0x85: {  	_ =	shalt  }
0x86: {  	_ =	shalt  }
0x87: {  	_ =	shalt  }
.Lfunc_end0:
.L_simem_size_0:
called_computation_lowered:
.L_overlay_start_0:
0x88: {  	s2 =	sld [smem:$0x3FD9]  }
0x89: {  	s3 =	sld [smem:$0x3FFE];
	_ =	sdelay $0x1  }
0x8a: {  	s1 =	srdreg.scid  }
0x8b: {  	s0 =	sand.u32 $0x1, s1  }
0x8c: {  	s15 =	sshll.u32 s0, $0xA;
	s2 =	sadd.s32 s3, s2  }
0x8d: {  	s2 =	sadd.s32 s2, s15  }
0x8e: {  	[smem:$0x3FC0] =	sst s2  }
0x8f: {  	_ = 	snop  }
0x90: {  	s2 =	sld [smem:$0x3FD0];
	_ =	sdelay $0x1  }
0x91: {  	s16 =	sld [smem:$0x3FC9]  }
0x92: {  	s5 =	simm.s32 $0xA;
	s6 =	simm.s32 $0x10;
	s4 =	sld [smem:$0x3FC2]  }
0x93: {  	[smem:s6], [sflag:s5] =	dma.local [hbm:s2], $0x1  }
0x94: {  	_ =	swait.eq [sflag:s5], $0x1  }
0x95: {  	[sflag:s5] =	ssyncset.done $0x0  }
0x96: {  	[sflag:s5] =	ssyncadd.s32 $0xFFFFFFFF  }
0x97: {  	s17 =	sld [smem:$0x10];
	(tm) =	ssettm $0x1  }
0x98: {  	s18 =	sld [smem:$0x3FFB];
	_ =	sdelay $0x3  }
0x99: {  	_ =	strace s18  }
0x9a: {  	s5 =	sld [smem:$0x3FFC];
	_ =	sdelay $0x3  }
0x9b: {  	_ =	strace s5  }
0x9c: {  	s5 =	sld [smem:$0x3FFD];
	_ =	sdelay $0x3  }
0x9d: {  	_ =	strace s5  }
0x9e: {  	_ =	strace $0x8FFFFFFF  }
0x9f: {  	s19 =	sld [smem:$0x3FDB];
	_ =	sdelay $0x1  }
0xa0: {  	s20 =	simm.s32 $_scs_section_size  }
0xa1: {  	s7 =	simm.s32 $_size__tile_overlayer_lowered;
	s8 =	simm.s32 $_tile_overlayer_lowered  }
0xa2: {  	s23 =	simm.s32 $0x1BFF;
	s22 =	sshll.u32 s8, $0x1;
	s5 =	sadd.s32 s20, s19  }
0xa3: {  	s9 =	simm.s32 $0x0;
	s21 =	sshll.u32 s7, $0x1;
	s7 =	sadd.s32 s22, s5  }
0xa4: {  	[timem:s9], [sflag:s23] =	dma.local [hbm:s7], s21  }
0xa5: {  	_ =	swait.ge [sflag:s23], s21  }
0xa6: {  	s6 =	ssub.s32 $0x0, s21;
	[sflag:s23] =	ssyncset.done $0x0  }
0xa7: {  	[sflag:s23] =	ssyncadd.s32 s6;
	_ =	sdelay $0x1  }
0xa8: {  	s24 =	simm.s32 $0x1B8B  }
0xa9: {  	_ =	swait.ge [sflag:s24], $0x1  }
0xaa: {  	[sflag:s24] =	ssyncset.done $0x0  }
0xab: {  	s25 =	simm.s32 $0x1B8E;
	[sflag:s24] =	ssyncadd.s32 $0xFFFFFFFF  }
0xac: {  	s26 =	simm.s32 $execute0_lowered;
	[smem:$0x3FD2] =	sst s25  }
0xad: {  	s6 =	sshll.u32 s26, $0x1;
	_ =	strace $0x80000046;
	[dreg:$0x1] =	wrdreg $0xFFFFFFFF  }
0xae: {  	s28 =	simm.s32 $_size_execute0_lowered;
	s5 =	sadd.s32 s5, s6;
	[dreg:$0x0] =	wrdreg $0x0  }
0xaf: {  	s6 =	sshll.u32 s28, $0x1;
	[dreg:$0x2] =	wrdreg s5  }
0xb0: {  	[dreg:$0x3] =	wrdreg s6  }
0xb1: {  	[dreg:$0x4] =	wrdreg $0xC0  }
0xb2: {  	_ =	task [dreg:s9], $0x5FFFF  }
0xb3: {  	[dreg:$0x1] =	wrdreg $0xFFFFFFFF  }
0xb4: {  	[dreg:$0x0] =	wrdreg $0x60  }
0xb5: {  	[dreg:$0x2] =	wrdreg s16  }
0xb6: {  	[dreg:$0x3] =	wrdreg s4  }
0xb7: {  	[dreg:$0x4] =	wrdreg s17  }
0xb8: {  	[dreg:$0x5] =	wrdreg $0x1D0000  }
0xb9: {  	[dreg:$0x6] =	wrdreg $0x9  }
0xba: {  	_ =	task.clear_ibuf [dreg:s9], $0x7FFFF;
	_ =	strace $0x90000046  }
0xbb: {  	s29 =	simm.s32 $0x9;
	_ =	strace $0x80000048  }
0xbc: {  	_ =	swait.ge [sflag:s29], $0x1  }
0xbd: {  	[sflag:s29] =	ssyncadd.s32 $0xFFFFFFFF  }
0xbe: {  	_ =	strace $0x90000048  }
0xbf: {  	_ =	sfence  }
0xc0: {  	s30 =	sld [smem:$0x0];
	_ =	sdelay $0x2  }
0xc1: {  	s31 =	sshll.u32 s1, $0xD;
	s1 =	sshrl.u32 s1, $0x2  }
0xc2: {  	s3 =	sand.u32 $0x4000, s31;
	s1 =	sadd.s32 s1, s30  }
0xc3: {  	s0 =	sor.u32 s3, s0;
	s1 =	sshll.u32 s1, $0x11  }
0xc4: {  	s0 =	sor.u32 s1, s0  }
0xc5: {  	s0 =	sadd.s32 $0x8F2B, s0  }
0xc6: {  	[sflag:s0] =	ssyncadd.remote.s32 $0x1  }
0xc7: {  	_ =	sfence.sel $0xFFFF  }
0xc8: {  	[dreg:$0x0] =	wrdreg $0xFFFFFFFF;
	(pc) =	sbr.abs _section_cstart, $3  }
0xc9: {  	[dreg:$0x1] =	wrdreg $0xFFFFFFFF  }
0xca: {  	_ =	task.clear_ibuf [dreg:s9], $0x2FFFF;
	_ =	strace $0x9FFFFFFF  }
0xcb: {  	(tm) =	ssettm $0x7FFFFFFF  }
tec
execute0_lowered:
.L_overlay_start_1:
0x0: {  	(tag) =	ssettag $0x1  }
0x1: {  	s1 =	rddreg [dreg:$0x0]  }
0x2: {  	s2 =	rddreg [dreg:$0x1]  }
0x3: {  	s8 =	rddreg [dreg:$0x2]  }
0x4: {  	s3 =	rddreg [dreg:$0x3];
	s4 =	srdreg.scid  }
0x5: {  	s0 =	rddreg [dreg:$0x4];
	s10 =	stileid.u32;
	s14 =	simm.s32 $0x9000  }
0x6: {  	s15 =	simm.s32 $0x6;
	s16 =	simm.s32 $0xD000;
	s17 =	simm.s32 $0xE  }
0x7: {  	s18 =	simm.s32 $0xF;
	s19 =	simm.s32 $0x10;
	s20 =	simm.s32 $0xA  }
0x8: {  	s21 =	simm.s32 $0xB;
	s22 =	simm.s32 $0xC;
	s23 =	simm.s32 $0xD  }
0x9: {  	s24 =	simm.s32 $0x0;
	s7 =	sand.u32 $0x1, s4;
	s4 =	simm.s32 $0x0  }
0xa: {  	s9 =	sshll.u32 s10, $0x8;
	s12 =	sshll.u32 s10, $0xC;
	p0 =	sne.s32 s10, $0x0  }
0xb: {  	s5 =	ssub.s32 $0x2, s7;
	s11 =	sshll.u32 s7, $0x7;
	[smem:$0x7FF] =	sst s4  }
0xc: {  	s12 =	sadd.s32 s12, s8;
	s13 =	sshll.u32 s7, $0xB;
	s10 =	sshrl.u32 @!p0 s3, $0x3  }
0xd: {  	s6 =	sshrl.u32 s5, $0x1;
	_ =	strace $0x80000047;
	s31 =	sadd.s32 s13, s12  }
.Ltmp0:
0xe: {  	s6 =	ssub.s32 s5, s6;
	s5 =	sor.u32 s11, s9;
	(pc) =	sbr.rel .LBB2_1-.Ltmp0, $4  }
0xf: {  	s12 =	simm.s32 $0x80;
	s9 =	sshll.u32 s5, $0x4;
	s11 =	sor.u32 $0x18000, s5  }
0x10: {  	s13 =	simm.s32 $0x5;
	s9 =	sadd.s32 s9, s8;
	s11 =	smin.u32 s11, $0x18620  }
0x11: {  	s6 =	smax.u32 s6, $0x1;
	s7 =	sadd.s32 $0x170000, s9;
	s30 =	sshll.u32 s11, $0x4  }
0x12: {  	s9 =	sadd.s32 $0xFFFE0000, s31;
	s11 =	simm.s32 $0x2;
	s8 =	sadd.s32 s8, s30  }
.LBB2_9:
0x13: {  	_ =	swait.ge [sflag:s13], $0x4000  }
0x14: {  	[sflag:s13] =	ssyncset.done $0x0  }
0x15: {  	[sflag:s13] =	ssyncadd.s32 $0xFFFFC000  }
0x16: {  	[hbm4b:s7+s4] =	stream.linear.scatter [tilespmem:s14], [sflag:$0xC], $0x4000, $0x38;
	[tilespmem:$0x1D320] =	vst v63  }
0x17: {  	_ =	swait.ge [sflag:s15], $0x4000  }
0x18: {  	[sflag:s15] =	ssyncset.done $0x0  }
0x19: {  	[sflag:s15] =	ssyncadd.s32 $0xFFFFC000  }
0x1a: {  	[hbm4b:s8+s4] =	stream.linear.scatter [tilespmem:s16], [sflag:$0xD], $0x4000, $0x38;
	[tilespmem:$0x1D320] =	vst v63  }
0x1b: {  	_ =	swait.ge [sflag:s17], $0x4000  }
0x1c: {  	[sflag:s17] =	ssyncset.done $0x0  }
0x1d: {  	[sflag:s17] =	ssyncadd.s32 $0xFFFFC000  }
0x1e: {  	_ =	swait.ge [sflag:s18], $0x4000  }
0x1f: {  	[sflag:s18] =	ssyncset.done $0x0  }
0x20: {  	[sflag:s18] =	ssyncadd.s32 $0xFFFFC000  }
0x21: {  	_ =	swait.ge [sflag:s19], $0x4000  }
0x22: {  	[sflag:s19] =	ssyncset.done $0x0  }
0x23: {  	[sflag:s19] =	ssyncadd.s32 $0xFFFFC000  }
0x24: {  	_ =	swait.ge [sflag:s20], $0x4000  }
0x25: {  	[sflag:s20] =	ssyncset.done $0x0  }
0x26: {  	[sflag:s20] =	ssyncadd.s32 $0xFFFFC000  }
0x27: {  	_ =	swait.ge [sflag:s21], $0x4000  }
0x28: {  	[sflag:s21] =	ssyncset.done $0x0  }
0x29: {  	s24 =	sadd.s32 $0x1, s24;
	[sflag:s21] =	ssyncadd.s32 $0xFFFFC000  }
0x2a: {  	p1 =	sne.s32 s24, s6;
	_ =	swait.ge [sflag:s22], $0x4000  }
.Ltmp1:
0x2b: {  	[sflag:s22] =	ssyncset.done $0x0;
	(pc) =	sbr.rel @!p1 .LBB2_10-.Ltmp1, $4  }
0x2c: {  	[sflag:s22] =	ssyncadd.s32 $0xFFFFC000  }
0x2d: {  	_ =	swait.ge [sflag:s23], $0x4000  }
0x2e: {  	[sflag:s23] =	ssyncset.done $0x0  }
0x2f: {  	[sflag:s23] =	ssyncadd.s32 $0xFFFFC000  }
.LBB2_1:
0x30: {  	s25 =	simm.s32 @!p0 $0x1C01;
	p1 =	slt.s32 s5, $0x18620;
	s26 =	smov.u32 s5  }
0x31: {  	[spmem:s10], [sflag:s25] =	dma.local @!p0 [hbm:s2], $0x640  }
0x32: {  	s26 =	simm.s32 @!p1 $0x18620  }
0x33: {  	s28 =	simm.s32 $0x0;
	s26 =	sshrl.u32 s26, $0x3  }
0x34: {  	s25 =	simm.s32 $0x200;
	s29 =	sadd.s32 s1, s26;
	s26 =	sadd.s32 $0x1000, s5  }
.LBB2_2:
0x35: {  	[tilespmem:s28], [sflag:$0x2] =	stream.linear.gather [hbm4b:s29+s4], $0x80, $0x38;
	[tilespmem:$0x1D320] =	vst v63  }
0x36: {  	s28 =	smov.u32 s25;
	p1 =	sne.s32 s25, $0x3000  }
.Ltmp2:
0x37: {  	s25 =	sadd.s32 $0x200, s25;
	(pc) =	sbr.rel @p1 .LBB2_2-.Ltmp2, $4  }
0x38: {  	p2 =	slt.s32 s26, $0x18620;
	s29 =	smov.u32 s26  }
0x39: {  	s29 =	simm.s32 @!p2 $0x18620  }
0x3a: {  	s29 =	sshrl.u32 s29, $0x3  }
0x3b: {  	s26 =	sadd.s32 $0x1000, s26;
	s28 =	sshra.s32 s28, $0x2;
	s29 =	sadd.s32 s1, s29  }
0x3c: {  	[tilespmem:s28], [sflag:$0x2] =	stream.linear.gather [hbm4b:s29+s4], $0x80, $0x38;
	[tilespmem:$0x1D320] =	vst v63  }
0x3d: {  	_ =	swait.ge [sflag:s11], $0x80  }
0x3e: {  	[sflag:s11] =	ssyncset.done $0x0  }
0x3f: {  	[sflag:s11] =	ssyncadd.s32 $0xFFFFFF80  }
0x40: {  	_ =	swait.ge [sflag:s11], $0x80  }
0x41: {  	[sflag:s11] =	ssyncset.done $0x0  }
0x42: {  	[sflag:s11] =	ssyncadd.s32 $0xFFFFFF80  }
0x43: {  	_ =	swait.ge [sflag:s11], $0x80  }
0x44: {  	[sflag:s11] =	ssyncset.done $0x0  }
0x45: {  	[sflag:s11] =	ssyncadd.s32 $0xFFFFFF80  }
0x46: {  	_ =	swait.ge [sflag:s11], $0x80  }
0x47: {  	[sflag:s11] =	ssyncset.done $0x0  }
0x48: {  	[sflag:s11] =	ssyncadd.s32 $0xFFFFFF80  }
0x49: {  	_ =	swait.ge [sflag:s11], $0x80  }
0x4a: {  	[sflag:s11] =	ssyncset.done $0x0  }
0x4b: {  	[sflag:s11] =	ssyncadd.s32 $0xFFFFFF80  }
0x4c: {  	_ =	swait.ge [sflag:s11], $0x80  }
0x4d: {  	[sflag:s11] =	ssyncset.done $0x0  }
0x4e: {  	[sflag:s11] =	ssyncadd.s32 $0xFFFFFF80  }
0x4f: {  	_ =	swait.ge [sflag:s11], $0x80  }
0x50: {  	[sflag:s11] =	ssyncset.done $0x0  }
0x51: {  	[sflag:s11] =	ssyncadd.s32 $0xFFFFFF80  }
0x52: {  	_ =	swait.ge [sflag:s11], $0x80  }
0x53: {  	[sflag:s11] =	ssyncset.done $0x0  }
0x54: {  	[sflag:s11] =	ssyncadd.s32 $0xFFFFFF80  }
0x55: {  	_ =	swait.ge [sflag:s11], $0x80  }
0x56: {  	[sflag:s11] =	ssyncset.done $0x0  }
0x57: {  	[sflag:s11] =	ssyncadd.s32 $0xFFFFFF80  }
0x58: {  	_ =	swait.ge [sflag:s11], $0x80  }
0x59: {  	[sflag:s11] =	ssyncset.done $0x0  }
0x5a: {  	[sflag:s11] =	ssyncadd.s32 $0xFFFFFF80  }
0x5b: {  	_ =	swait.ge [sflag:s11], $0x80  }
0x5c: {  	[sflag:s11] =	ssyncset.done $0x0  }
0x5d: {  	[sflag:s11] =	ssyncadd.s32 $0xFFFFFF80  }
0x5e: {  	_ =	swait.ge [sflag:s11], $0x80  }
0x5f: {  	[sflag:s11] =	ssyncset.done $0x0  }
0x60: {  	[sflag:s11] =	ssyncadd.s32 $0xFFFFFF80  }
0x61: {  	_ =	swait.ge [sflag:s11], $0x80  }
0x62: {  	[sflag:s11] =	ssyncset.done $0x0  }
0x63: {  	[sflag:s11] =	ssyncadd.s32 $0xFFFFFF80  }
0x64: {  	_ =	swait.ge [sflag:s11], $0x80  }
0x65: {  	[sflag:s11] =	ssyncset.done $0x0  }
0x66: {  	[sflag:s11] =	ssyncadd.s32 $0xFFFFFF80  }
0x67: {  	_ =	swait.ge [sflag:s11], $0x80  }
0x68: {  	[sflag:s11] =	ssyncset.done $0x0  }
0x69: {  	[sflag:s11] =	ssyncadd.s32 $0xFFFFFF80  }
0x6a: {  	_ =	swait.ge [sflag:s11], $0x80  }
0x6b: {  	[sflag:s11] =	ssyncset.done $0x0  }
0x6c: {  	[sflag:s11] =	ssyncadd.s32 $0xFFFFFF80  }
0x6d: {  	_ =	swait.ge [sflag:s11], $0x80  }
0x6e: {  	[sflag:s11] =	ssyncset.done $0x0  }
0x6f: {  	[sflag:s11] =	ssyncadd.s32 $0xFFFFFF80  }
0x70: {  	_ =	swait.ge [sflag:s11], $0x80  }
0x71: {  	[sflag:s11] =	ssyncset.done $0x0  }
0x72: {  	[sflag:s11] =	ssyncadd.s32 $0xFFFFFF80  }
0x73: {  	_ =	swait.ge [sflag:s11], $0x80  }
0x74: {  	[sflag:s11] =	ssyncset.done $0x0  }
0x75: {  	[sflag:s11] =	ssyncadd.s32 $0xFFFFFF80  }
0x76: {  	_ =	swait.ge [sflag:s11], $0x80  }
0x77: {  	[sflag:s11] =	ssyncset.done $0x0  }
0x78: {  	[sflag:s11] =	ssyncadd.s32 $0xFFFFFF80  }
0x79: {  	_ =	swait.ge [sflag:s11], $0x80  }
0x7a: {  	[sflag:s11] =	ssyncset.done $0x0  }
0x7b: {  	[sflag:s11] =	ssyncadd.s32 $0xFFFFFF80  }
0x7c: {  	_ =	swait.ge [sflag:s11], $0x80  }
0x7d: {  	[sflag:s11] =	ssyncset.done $0x0  }
0x7e: {  	[sflag:s11] =	ssyncadd.s32 $0xFFFFFF80  }
0x7f: {  	_ =	swait.ge [sflag:s11], $0x80  }
0x80: {  	[sflag:s11] =	ssyncset.done $0x0  }
0x81: {  	[sflag:s11] =	ssyncadd.s32 $0xFFFFFF80  }
0x82: {  	_ =	swait.ge [sflag:s11], $0x80  }
0x83: {  	[sflag:s11] =	ssyncset.done $0x0  }
0x84: {  	[sflag:s11] =	ssyncadd.s32 $0xFFFFFF80  }
0x85: {  	_ =	swait.ge [sflag:s11], $0x80  }
0x86: {  	[sflag:s11] =	ssyncset.done $0x0  }
0x87: {  	s25 =	simm.s32 @!p0 $0x1;
	[sflag:s11] =	ssyncadd.s32 $0xFFFFFF80  }
.Ltmp3:
0x88: {  	_ =	swait.ge @!p0 [sflag:s25], $0x640;
	(pc) =	sbr.rel .LBB2_4-.Ltmp3, $4  }
0x89: {  	[sflag:s25] =	ssyncset.done @!p0 $0x0  }
0x8a: {  	[sflag:s25] =	ssyncadd.s32 @!p0 $0xFFFFF9C0  }
0x8b: {  	[bflag:$0x0] =	sbarrier.arrive $0xFFFF  }
0x8c: {  	s26 =	smov.u32 s9;
	s28 =	simm.s32 $0x0;
	s25 =	simm.s32 $0x0  }
.LBB2_5:
0x8d: {  	s30 =	sadd.s32 $0xA, s29  }
0x8e: {  	_ =	swait.ge [sflag:s30], $0x4000  }
0x8f: {  	s31 =	sshll.u32 s29, $0xE;
	[sflag:s30] =	ssyncset.done $0x0  }
0x90: {  	[sflag:s30] =	ssyncadd.s32 $0xFFFFC000;
	s30 =	sor.u32 $0x1000, s31;
	s31 =	sadd.s32 $0x3, s29  }
0x91: {  	[tilespmem:s30], [sflag:s31] =	stream.indirect.gather [spmem:s3], $0x80, s25, s12, $0xb8;
	[tilespmem:$0x1D320] =	vst v63  }
.LBB2_7:
0x92: {  	s29 =	sadd.s32 $0xFFFFFFFE, s28  }
0x93: {  	s30 =	sand.u32 $0xFF, s29  }
0x94: {  	s30 =	smul.u32 $0x25, s30;
	_ =	sdelay $0x1  }
0x95: {  	s30 =	sshrl.u32 s30, $0x8  }
0x96: {  	s31 =	ssub.s32 s29, s30  }
0x97: {  	s31 =	sand.u32 $0xFE, s31  }
0x98: {  	s31 =	sshrl.u32 s31, $0x1  }
0x99: {  	s30 =	sadd.s32 s30, s31  }
0x9a: {  	s30 =	sshrl.u32 s30, $0x2  }
0x9b: {  	s30 =	smul.u32 $0x7, s30;
	_ =	sdelay $0x1  }
0x9c: {  	s29 =	ssub.s32 s29, s30  }
0x9d: {  	s29 =	sand.u32 $0xFF, s29  }
0x9e: {  	s30 =	sadd.s32 $0x3, s29  }
0x9f: {  	_ =	swait.ge [sflag:s30], $0x4000  }
0xa0: {  	s31 =	sshll.u32 s29, $0xE;
	[sflag:s30] =	ssyncset.done $0x0  }
0xa1: {  	s29 =	sadd.s32 $0xA, s29;
	s31 =	sor.u32 $0x1000, s31;
	[sflag:s30] =	ssyncadd.s32 $0xFFFFC000  }
0xa2: {  	[hbm4b:s26+s4] =	stream.linear.scatter [tilespmem:s31], [sflag:s29], $0x4000, $0x38;
	[tilespmem:$0x1D320] =	vst v63  }
.LBB2_8:
0xa3: {  	s28 =	sadd.s32 $0x1, s28  }
0xa4: {  	p1 =	sne.s32 s28, $0x19  }
.Ltmp4:
0xa5: {  	_ = 	snop;
	(pc) =	sbr.rel @!p1 .LBB2_9-.Ltmp4, $2  }
0xa6: {  	_ =	sdelay $0x2  }
0xa7: {  	s25 =	sadd.s32 $0x80, s25;
	s26 =	sadd.s32 $0x10000, s26  }
.LBB2_4:
0xa8: {  	s29 =	smul.u32 $0x25, s28;
	_ =	sdelay $0x1  }
0xa9: {  	s29 =	sshrl.u32 s29, $0x8  }
0xaa: {  	s30 =	ssub.s32 s28, s29  }
0xab: {  	s30 =	sand.u32 $0xFE, s30  }
0xac: {  	s30 =	sshrl.u32 s30, $0x1  }
0xad: {  	s29 =	sadd.s32 s29, s30  }
0xae: {  	p1 =	slt.u32 s28, $0x7;
	s29 =	sand.u32 $0xFC, s29  }
.Ltmp5:
0xaf: {  	s29 =	sshrl.u32 s29, $0x2;
	(pc) =	sbr.rel @!p1 .LBB2_5-.Ltmp5, $3  }
0xb0: {  	s29 =	smul.u32 $0x7, s29;
	_ =	sdelay $0x1  }
0xb1: {  	s29 =	ssub.s32 s28, s29  }
0xb2: {  	s29 =	sand.u32 $0xFF, s29  }
0xb3: {  	p1 =	slt.u32 s28, $0x2  }
.Ltmp6:
0xb4: {  	_ = 	snop;
	(pc) =	sbr.rel @p1 .LBB2_8-.Ltmp6, $4  }
.Ltmp7:
0xb5: {  	_ = 	snop;
	(pc) =	sbr.rel @!p1 .LBB2_7-.Ltmp7, $4  }
0xb6: {  	s30 =	sshll.u32 s29, $0xE  }
0xb7: {  	s31 =	sadd.s32 $0x3, s29;
	s30 =	sor.u32 $0x1000, s30  }
0xb8: {  	[tilespmem:s30], [sflag:s31] =	stream.indirect.gather [spmem:s3], $0x80, s25, s12, $0xb8;
	[tilespmem:$0x1D320] =	vst v63  }
0xb9: {  	_ = 	snop  }
.LBB2_10:
0xba: {  	_ =	sfence.sel $0x180000  }
0xbb: {  	[bflag:$0x0] =	sbarrier.arrive $0xFFFF  }
0xbc: {  	_ =	strace $0x90000047  }
0xbd: {  	s0 =	sadd.s32 @!p0 $0x100000, s0;
	[bflag:$0x2] =	sbarrier.arrive $0xFFFF  }
0xbe: {  	[sflag:s0] =	ssyncadd.tile.s32 @!p0 $0x1;
	_ =	shalt  }
.Lfunc_end2:
_tile_overlayer_lowered:
.L_overlay_start_2:
0xbf: {  	(tag) =	ssettag $0x2  }
0xc0: {  	s0 =	rddreg [dreg:$0x0];
	s2 =	stileid.u32  }
0xc1: {  	s1 =	rddreg [dreg:$0x1];
	p0 =	sne.s32 s2, $0x0  }
0xc2: {  	s3 =	rddreg [dreg:$0x2];
	[bflag:$0x3] =	sbarrier.arrive $0xFFFF;
	s2 =	simm.s32 @!p0 $0x1C11  }
0xc3: {  	[timem:s3], [sflag:s2] =	dma.local @!p0 [hbm:s0], s1  }
0xc4: {  	s0 =	simm.s32 @!p0 $0x11  }
0xc5: {  	_ =	swait.ge @!p0 [sflag:s0], s1  }
0xc6: {  	s1 =	ssub.s32 @!p0 $0x0, s1;
	[sflag:s0] =	ssyncset.done @!p0 $0x0  }
0xc7: {  	[sflag:s0] =	ssyncadd.s32 @!p0 s1  }
0xc8: {  	[bflag:$0x3] =	sbarrier.arrive $0xFFFF  }
0xc9: {  	_ =	shalt  }

</sc_bundles>
